<compile_context>
chip_gen: v7x
topology: tpu7x:2x2x1
jax: 0.10.2.dev20260603
libtpu: 0.0.44.dev20260713+nightly
codegen_flags: <defaults>
</compile_context>

<pallas_src>
import functools

import jax
import jax.numpy as jnp
from jax import lax
from jax.experimental import pallas as pl
from jax.experimental.pallas import tpu as pltpu
from jax.experimental.pallas import tpu_sc as plsc

D_MODEL = 768
NUM_EXPERTS = 64
TOP_K = 8
N_TOKENS = 32768
BLOCK = 4096
GRID = N_TOKENS // BLOCK

NC, NS, L = 2, 16, 16
NW = NC * NS
ROWS_PER_W = N_TOKENS // NW
RC = 128
N_CHUNKS = ROWS_PER_W // RC
ROW_UNROLL = 2


def _axis0_reduce(x, op):
    while x.shape[0] > 8:
        h = x.shape[0] // 2
        x = op(x[:h], x[h:])
    return x


def _dense_body(et_ref, b_ref, u_ref, s_ref, aux_ref, acc):
    step = pl.program_id(0)

    @pl.when(step == 0)
    def _init():
        acc[...] = jnp.zeros_like(acc)

    logits = (
        jax.lax.dot_general(
            et_ref[...], u_ref[...],
            (((1,), (1,)), ((), ())),
            preferred_element_type=jnp.float32,
        )
        + b_ref[...]
    )

    m = jnp.max(_axis0_reduce(logits, jnp.maximum), axis=0, keepdims=True)
    e = jnp.exp(logits - m)
    den = jnp.sum(_axis0_reduce(e, jnp.add), axis=0, keepdims=True)
    s = e * (1.0 / den)
    s_ref[...] = jnp.transpose(s)

    sp = s
    while sp.shape[1] > 128:
        h = sp.shape[1] // 2
        sp = sp[:, :h] + sp[:, h:]
    acc[...] += sp

    @pl.when(step == GRID - 1)
    def _finish():
        mean = jnp.sum(acc[...], axis=1, keepdims=True) * (1.0 / N_TOKENS)
        aux_ref[0, 0] = jnp.sum(mean * mean) * NUM_EXPERTS


def _dense(u, e_t, bias2d):
    return pl.pallas_call(
        _dense_body,
        grid=(GRID,),
        in_specs=[
            pl.BlockSpec((NUM_EXPERTS, D_MODEL), lambda i: (0, 0)),
            pl.BlockSpec((NUM_EXPERTS, 1), lambda i: (0, 0)),
            pl.BlockSpec((BLOCK, D_MODEL), lambda i: (i, 0)),
        ],
        out_specs=[
            pl.BlockSpec((BLOCK, NUM_EXPERTS), lambda i: (i, 0)),
            pl.BlockSpec(memory_space=pltpu.SMEM),
        ],
        out_shape=[
            jax.ShapeDtypeStruct((N_TOKENS, NUM_EXPERTS), jnp.float32),
            jax.ShapeDtypeStruct((1, 1), jnp.float32),
        ],
        scratch_shapes=[pltpu.VMEM((NUM_EXPERTS, 128), jnp.float32)],
    )(e_t, bias2d, u)


def _merge_top16(ka, va, kb, vb):
    rkb = lax.rev(kb, (0,))
    rvb = lax.rev(vb, (0,))
    m = ka >= rkb
    zk = jnp.where(m, ka, rkb)
    zv = jnp.where(m, va, rvb)
    return plsc.sort_key_val(zk, zv, descending=True)


def _row_topk(buf, r):
    base = r * NUM_EXPERTS
    iota = lax.iota(jnp.int32, L)
    ks, vs = [], []
    for q in range(4):
        k = buf[pl.ds(base + q * L, L)]
        ks_q, vs_q = plsc.sort_key_val(k, iota + q * L, descending=True)
        ks.append(ks_q)
        vs.append(vs_q)
    kab, vab = _merge_top16(ks[0], vs[0], ks[1], vs[1])
    kcd, vcd = _merge_top16(ks[2], vs[2], ks[3], vs[3])
    return _merge_top16(kab, vab, kcd, vcd)


def _sc_topk_kernel(s_hbm, ti_hbm, ts_hbm, buf, tsb, tib):
    wid = lax.axis_index("s") * NC + lax.axis_index("c")
    wbase = wid * ROWS_PER_W
    iota = lax.iota(jnp.int32, L)
    out_mask = iota < TOP_K

    def chunk_body(ci, carry):
        cbase = wbase + ci * RC
        pltpu.sync_copy(s_hbm.at[pl.ds(cbase * NUM_EXPERTS, RC * NUM_EXPERTS)],
                        buf)

        def group_body(gi, carry2):
            for uu in range(ROW_UNROLL):
                r = gi * ROW_UNROLL + uu
                kk, vv = _row_topk(buf, r)
                off = r * TOP_K + iota
                plsc.store_scatter(tsb, [off], kk, mask=out_mask)
                plsc.store_scatter(tib, [off], vv, mask=out_mask)
            return carry2

        lax.fori_loop(0, RC // ROW_UNROLL, group_body, 0, unroll=False)
        pltpu.sync_copy(tsb.at[pl.ds(0, RC * TOP_K)],
                        ts_hbm.at[pl.ds(cbase * TOP_K, RC * TOP_K)])
        pltpu.sync_copy(tib.at[pl.ds(0, RC * TOP_K)],
                        ti_hbm.at[pl.ds(cbase * TOP_K, RC * TOP_K)])
        return carry

    lax.fori_loop(0, N_CHUNKS, chunk_body, 0, unroll=False)


def _sc_topk(scores):
    mesh = plsc.VectorSubcoreMesh(
        core_axis_name="c", subcore_axis_name="s",
        num_cores=NC, num_subcores=NS,
    )
    kfn = pl.kernel(
        _sc_topk_kernel,
        out_type=[
            jax.ShapeDtypeStruct((N_TOKENS * TOP_K,), jnp.int32),
            jax.ShapeDtypeStruct((N_TOKENS * TOP_K,), jnp.float32),
        ],
        mesh=mesh,
        compiler_params=pltpu.CompilerParams(needs_layout_passes=False),
        scratch_types=[
            pltpu.VMEM((RC * NUM_EXPERTS,), jnp.float32),
            pltpu.VMEM((RC * TOP_K,), jnp.float32),
            pltpu.VMEM((RC * TOP_K,), jnp.int32),
        ],
    )
    ti_flat, ts_flat = kfn(scores.reshape(N_TOKENS * NUM_EXPERTS))
    return (ti_flat.reshape(N_TOKENS, TOP_K), ts_flat.reshape(N_TOKENS, TOP_K))


def kernel(u, E, bias):
    e_t = E.T
    bias2d = bias.reshape(NUM_EXPERTS, 1)
    scores, aux = _dense(u, e_t, bias2d)
    topk_i, topk_s = _sc_topk(scores)
    return (topk_i, topk_s, scores, aux.reshape(()))

# --- scband reference (transcript-rebuilt; emitter-appended) ---
"""Pipeline reference for scband-softmax-router-49933289783890 (READ-ONLY COPY).

The authoritative reference and input builder live on the scoring server;
editing this copy changes nothing except your own understanding.
"""

import jax, jax.numpy as jnp
import numpy as np

D_MODEL = 768
NUM_EXPERTS = 64
TOP_K = 8

def setup_inputs(seed: int = 0) -> dict:
    key = jax.random.key(seed)
    k_u, k_E = jax.random.split(key, 2)
    u = jax.random.normal(k_u, (32768, D_MODEL), dtype=jnp.float32)
    E = jax.random.normal(k_E, (D_MODEL, NUM_EXPERTS), dtype=jnp.float32) * 0.01
    bias = jnp.zeros((NUM_EXPERTS,), dtype=jnp.float32)
    return {"u": u, "E": E, "bias": bias}

def reference(u, E, bias):
    logits = u @ E + bias
    scores = jax.nn.softmax(logits, axis=-1)
    topk_s, topk_i = jax.lax.top_k(scores, TOP_K)
    aux_loss = jnp.sum(jnp.mean(scores, axis=0) ** 2) * NUM_EXPERTS
    return (topk_i, topk_s, scores, aux_loss)

if __name__ == "__main__":
    import jax
    _d = setup_inputs()
    print(jax.jit(kernel)(*tuple(_d.values())))

</pallas_src>

<mosaic_0001>
#map = affine_map<(d0, d1) -> (0)>
module attributes {stable_mosaic.version = 14 : i64} {
  func.func @_sc_topk_kernel(%arg0: i32, %arg1: i32, %arg2: memref<2097152xf32, #tpu.memory_space<hbm>>, %arg3: memref<262144xi32, #tpu.memory_space<hbm>>, %arg4: memref<262144xf32, #tpu.memory_space<hbm>>, %arg5: memref<8192xf32, #tpu.memory_space<vmem>>, %arg6: memref<1024xf32, #tpu.memory_space<vmem>>, %arg7: memref<1024xi32, #tpu.memory_space<vmem>>) attributes {dimension_semantics = [#tpu.dimension_semantics<core_parallel>, #tpu.dimension_semantics<subcore_parallel>], iteration_bounds = array<i64: 2, 16>, scalar_prefetch = 0 : i64, scratch_operands = 3 : i64, tpu.core_type = #tpu.core_type<sc_vector_subcore>, window_params = [{transform_indices = #map}, {transform_indices = #map}, {transform_indices = #map}]} {
    %mul3A = arith.constant 2 : i32
    %mul3A_0 = arith.muli %arg1, %mul3A : i32
    %add3A = arith.addi %mul3A_0, %arg0 : i32
    %mul3A_1 = arith.constant 1024 : i32
    %mul3A_2 = arith.muli %add3A, %mul3A_1 : i32
    %iota3A = tpu.iota {dimensions = array<i32: 0>} : vector<16xi32>
    %lt3A = arith.constant 8 : i32
    %lt3A_3 = vector.broadcast %lt3A : i32 to vector<16xi32>
    %lt3A_4 = arith.cmpi slt, %iota3A, %lt3A_3 : vector<16xi32>
    %scan3A = arith.constant 0 : i32
    %scan3A_5 = arith.constant 0 : i32
    %scan3A_6 = arith.constant 8 : i32
    %scan3A_7 = arith.addi %scan3A_5, %scan3A_6 : i32
    %scan3A_8 = arith.constant 1 : i32
    scf.for %scan3A_10 = %scan3A_5 to %scan3A_7 step %scan3A_8  : i32 {
      %mul3A_11 = arith.constant 128 : i32
      %mul3A_12 = arith.muli %scan3A_10, %mul3A_11 : i32
      %add3A_13 = arith.addi %mul3A_2, %mul3A_12 : i32
      %mul3A_14 = arith.constant 64 : i32
      %mul3A_15 = arith.muli %add3A_13, %mul3A_14 : i32
      "tpu.region"() ({
        %run_scoped3A = tpu.sem_alloc : memref<!tpu.dma_semaphore, #tpu.memory_space<semaphore_mem>>
        %dma_start3A = tpu.memref_slice %arg2[%mul3A_15] : memref<2097152xf32, #tpu.memory_space<hbm>> -> memref<8192xf32, #tpu.memory_space<hbm>>
        %dma_start3A_26 = tpu.memref_slice %arg2[%mul3A_15] : memref<2097152xf32, #tpu.memory_space<hbm>> -> memref<8192xf32, #tpu.memory_space<hbm>>
        tpu.enqueue_dma source(%dma_start3A_26 : memref<8192xf32, #tpu.memory_space<hbm>>) target(%arg5 : memref<8192xf32, #tpu.memory_space<vmem>>) target_semaphore(%run_scoped3A : memref<!tpu.dma_semaphore, #tpu.memory_space<semaphore_mem>>)
        %dma_wait3A = tpu.memref_slice %arg2[%mul3A_15] : memref<2097152xf32, #tpu.memory_space<hbm>> -> memref<8192xf32, #tpu.memory_space<hbm>>
        %dma_wait3A_27 = tpu.memref_slice %arg2[%mul3A_15] : memref<2097152xf32, #tpu.memory_space<hbm>> -> memref<8192xf32, #tpu.memory_space<hbm>>
        tpu.wait_dma2 semaphore(%run_scoped3A : memref<!tpu.dma_semaphore, #tpu.memory_space<semaphore_mem>>) src(%dma_wait3A_27 : memref<8192xf32, #tpu.memory_space<hbm>>) dst(%arg5 : memref<8192xf32, #tpu.memory_space<vmem>>)
        tpu.yield
      }) : () -> ()
      %scan3A_16 = arith.constant 0 : i32
      %scan3A_17 = arith.constant 0 : i32
      %scan3A_18 = arith.constant 64 : i32
      %scan3A_19 = arith.addi %scan3A_17, %scan3A_18 : i32
      %scan3A_20 = arith.constant 1 : i32
      scf.for %scan3A_26 = %scan3A_17 to %scan3A_19 step %scan3A_20  : i32 {
        %mul3A_27 = arith.constant 2 : i32
        %mul3A_28 = arith.muli %scan3A_26, %mul3A_27 : i32
        %add3A_29 = arith.constant 0 : i32
        %add3A_30 = arith.addi %mul3A_28, %add3A_29 : i32
        %mul3A_31 = arith.constant 64 : i32
        %mul3A_32 = arith.muli %add3A_30, %mul3A_31 : i32
        %iota3A_33 = tpu.iota {dimensions = array<i32: 0>} : vector<16xi32>
        %add3A_34 = arith.constant 0 : i32
        %add3A_35 = arith.addi %mul3A_32, %add3A_34 : i32
        %get3A = arith.index_cast %add3A_35 : i32 to index
        %get3A_36 = tpu.vector_load %arg5[%get3A] {strides = array<i32>} : memref<8192xf32, #tpu.memory_space<vmem>>, vector<16xf32>,
        %add3A_37 = arith.constant 0 : i32
        %add3A_38 = vector.broadcast %add3A_37 : i32 to vector<16xi32>
        %add3A_39 = arith.addi %iota3A_33, %add3A_38 : vector<16xi32>
        %masked_sort3A = arith.constant dense<true> : vector<16xi1>
        %masked_sort3A_40, %masked_sort3A_41, %masked_sort3A_42 = tpu.sort %get3A_36, %add3A_39 masked %masked_sort3A {descending = true} : (vector<16xf32>, vector<16xi32>, vector<16xi1>) -> (vector<16xi1>, vector<16xf32>, vector<16xi32>)
        %add3A_43 = arith.constant 16 : i32
        %add3A_44 = arith.addi %mul3A_32, %add3A_43 : i32
        %get3A_45 = arith.index_cast %add3A_44 : i32 to index
        %get3A_46 = tpu.vector_load %arg5[%get3A_45] {strides = array<i32>} : memref<8192xf32, #tpu.memory_space<vmem>>, vector<16xf32>,
        %add3A_47 = arith.constant 16 : i32
        %add3A_48 = vector.broadcast %add3A_47 : i32 to vector<16xi32>
        %add3A_49 = arith.addi %iota3A_33, %add3A_48 : vector<16xi32>
        %masked_sort3A_50 = arith.constant dense<true> : vector<16xi1>
        %masked_sort3A_51, %masked_sort3A_52, %masked_sort3A_53 = tpu.sort %get3A_46, %add3A_49 masked %masked_sort3A_50 {descending = true} : (vector<16xf32>, vector<16xi32>, vector<16xi1>) -> (vector<16xi1>, vector<16xf32>, vector<16xi32>)
        %add3A_54 = arith.constant 32 : i32
        %add3A_55 = arith.addi %mul3A_32, %add3A_54 : i32
        %get3A_56 = arith.index_cast %add3A_55 : i32 to index
        %get3A_57 = tpu.vector_load %arg5[%get3A_56] {strides = array<i32>} : memref<8192xf32, #tpu.memory_space<vmem>>, vector<16xf32>,
        %add3A_58 = arith.constant 32 : i32
        %add3A_59 = vector.broadcast %add3A_58 : i32 to vector<16xi32>
        %add3A_60 = arith.addi %iota3A_33, %add3A_59 : vector<16xi32>
        %masked_sort3A_61 = arith.constant dense<true> : vector<16xi1>
        %masked_sort3A_62, %masked_sort3A_63, %masked_sort3A_64 = tpu.sort %get3A_57, %add3A_60 masked %masked_sort3A_61 {descending = true} : (vector<16xf32>, vector<16xi32>, vector<16xi1>) -> (vector<16xi1>, vector<16xf32>, vector<16xi32>)
        %add3A_65 = arith.constant 48 : i32
        %add3A_66 = arith.addi %mul3A_32, %add3A_65 : i32
        %get3A_67 = arith.index_cast %add3A_66 : i32 to index
        %get3A_68 = tpu.vector_load %arg5[%get3A_67] {strides = array<i32>} : memref<8192xf32, #tpu.memory_space<vmem>>, vector<16xf32>,
        %add3A_69 = arith.constant 48 : i32
        %add3A_70 = vector.broadcast %add3A_69 : i32 to vector<16xi32>
        %add3A_71 = arith.addi %iota3A_33, %add3A_70 : vector<16xi32>
        %masked_sort3A_72 = arith.constant dense<true> : vector<16xi1>
        %masked_sort3A_73, %masked_sort3A_74, %masked_sort3A_75 = tpu.sort %get3A_68, %add3A_71 masked %masked_sort3A_72 {descending = true} : (vector<16xf32>, vector<16xi32>, vector<16xi1>) -> (vector<16xi1>, vector<16xf32>, vector<16xi32>)
        %rev3A = arith.constant 15 : i32
        %rev3A_76 = vector.broadcast %rev3A : i32 to vector<16xi32>
        %rev3A_77 = tpu.iota {dimensions = array<i32: 0>} : vector<16xi32>
        %rev3A_78 = arith.subi %rev3A_76, %rev3A_77 : vector<16xi32>
        %rev3A_79 = tpu.dynamic_gather %masked_sort3A_52[%rev3A_78] in [0] : vector<16xf32>, vector<16xi32> -> vector<16xf32>
        %rev3A_80 = arith.constant 15 : i32
        %rev3A_81 = vector.broadcast %rev3A_80 : i32 to vector<16xi32>
        %rev3A_82 = tpu.iota {dimensions = array<i32: 0>} : vector<16xi32>
        %rev3A_83 = arith.subi %rev3A_81, %rev3A_82 : vector<16xi32>
        %rev3A_84 = tpu.dynamic_gather %masked_sort3A_53[%rev3A_83] in [0] : vector<16xi32>, vector<16xi32> -> vector<16xi32>
        %ge3A = arith.cmpf oge, %masked_sort3A_41, %rev3A_79 : vector<16xf32>
        %select_n3A = arith.select %ge3A, %masked_sort3A_41, %rev3A_79 : vector<16xi1>, vector<16xf32>
        %select_n3A_85 = arith.select %ge3A, %masked_sort3A_42, %rev3A_84 : vector<16xi1>, vector<16xi32>
        %masked_sort3A_86 = arith.constant dense<true> : vector<16xi1>
        %masked_sort3A_87, %masked_sort3A_88, %masked_sort3A_89 = tpu.sort %select_n3A, %select_n3A_85 masked %masked_sort3A_86 {descending = true} : (vector<16xf32>, vector<16xi32>, vector<16xi1>) -> (vector<16xi1>, vector<16xf32>, vector<16xi32>)
        %rev3A_90 = arith.constant 15 : i32
        %rev3A_91 = vector.broadcast %rev3A_90 : i32 to vector<16xi32>
        %rev3A_92 = tpu.iota {dimensions = array<i32: 0>} : vector<16xi32>
        %rev3A_93 = arith.subi %rev3A_91, %rev3A_92 : vector<16xi32>
        %rev3A_94 = tpu.dynamic_gather %masked_sort3A_74[%rev3A_93] in [0] : vector<16xf32>, vector<16xi32> -> vector<16xf32>
        %rev3A_95 = arith.constant 15 : i32
        %rev3A_96 = vector.broadcast %rev3A_95 : i32 to vector<16xi32>
        %rev3A_97 = tpu.iota {dimensions = array<i32: 0>} : vector<16xi32>
        %rev3A_98 = arith.subi %rev3A_96, %rev3A_97 : vector<16xi32>
        %rev3A_99 = tpu.dynamic_gather %masked_sort3A_75[%rev3A_98] in [0] : vector<16xi32>, vector<16xi32> -> vector<16xi32>
        %ge3A_100 = arith.cmpf oge, %masked_sort3A_63, %rev3A_94 : vector<16xf32>
        %select_n3A_101 = arith.select %ge3A_100, %masked_sort3A_63, %rev3A_94 : vector<16xi1>, vector<16xf32>
        %select_n3A_102 = arith.select %ge3A_100, %masked_sort3A_64, %rev3A_99 : vector<16xi1>, vector<16xi32>
        %masked_sort3A_103 = arith.constant dense<true> : vector<16xi1>
        %masked_sort3A_104, %masked_sort3A_105, %masked_sort3A_106 = tpu.sort %select_n3A_101, %select_n3A_102 masked %masked_sort3A_103 {descending = true} : (vector<16xf32>, vector<16xi32>, vector<16xi1>) -> (vector<16xi1>, vector<16xf32>, vector<16xi32>)
        %rev3A_107 = arith.constant 15 : i32
        %rev3A_108 = vector.broadcast %rev3A_107 : i32 to vector<16xi32>
        %rev3A_109 = tpu.iota {dimensions = array<i32: 0>} : vector<16xi32>
        %rev3A_110 = arith.subi %rev3A_108, %rev3A_109 : vector<16xi32>
        %rev3A_111 = tpu.dynamic_gather %masked_sort3A_105[%rev3A_110] in [0] : vector<16xf32>, vector<16xi32> -> vector<16xf32>
        %rev3A_112 = arith.constant 15 : i32
        %rev3A_113 = vector.broadcast %rev3A_112 : i32 to vector<16xi32>
        %rev3A_114 = tpu.iota {dimensions = array<i32: 0>} : vector<16xi32>
        %rev3A_115 = arith.subi %rev3A_113, %rev3A_114 : vector<16xi32>
        %rev3A_116 = tpu.dynamic_gather %masked_sort3A_106[%rev3A_115] in [0] : vector<16xi32>, vector<16xi32> -> vector<16xi32>
        %ge3A_117 = arith.cmpf oge, %masked_sort3A_88, %rev3A_111 : vector<16xf32>
        %select_n3A_118 = arith.select %ge3A_117, %masked_sort3A_88, %rev3A_111 : vector<16xi1>, vector<16xf32>
        %select_n3A_119 = arith.select %ge3A_117, %masked_sort3A_89, %rev3A_116 : vector<16xi1>, vector<16xi32>
        %masked_sort3A_120 = arith.constant dense<true> : vector<16xi1>
        %masked_sort3A_121, %masked_sort3A_122, %masked_sort3A_123 = tpu.sort %select_n3A_118, %select_n3A_119 masked %masked_sort3A_120 {descending = true} : (vector<16xf32>, vector<16xi32>, vector<16xi1>) -> (vector<16xi1>, vector<16xf32>, vector<16xi32>)
        %mul3A_124 = arith.constant 8 : i32
        %mul3A_125 = arith.muli %add3A_30, %mul3A_124 : i32
        %add3A_126 = vector.broadcast %mul3A_125 : i32 to vector<16xi32>
        %add3A_127 = arith.addi %add3A_126, %iota3A : vector<16xi32>
        tpu.vector_store_idx %arg6[%add3A_127], %masked_sort3A_122 masked %lt3A_4 : memref<1024xf32, #tpu.memory_space<vmem>>[vector<16xi32>], vector<16xf32>, vector<16xi1>
        tpu.vector_store_idx %arg7[%add3A_127], %masked_sort3A_123 masked %lt3A_4 : memref<1024xi32, #tpu.memory_space<vmem>>[vector<16xi32>], vector<16xi32>, vector<16xi1>
        %mul3A_128 = arith.constant 2 : i32
        %mul3A_129 = arith.muli %scan3A_26, %mul3A_128 : i32
        %add3A_130 = arith.constant 1 : i32
        %add3A_131 = arith.addi %mul3A_129, %add3A_130 : i32
        %mul3A_132 = arith.constant 64 : i32
        %mul3A_133 = arith.muli %add3A_131, %mul3A_132 : i32
        %iota3A_134 = tpu.iota {dimensions = array<i32: 0>} : vector<16xi32>
        %add3A_135 = arith.constant 0 : i32
        %add3A_136 = arith.addi %mul3A_133, %add3A_135 : i32
        %get3A_137 = arith.index_cast %add3A_136 : i32 to index
        %get3A_138 = tpu.vector_load %arg5[%get3A_137] {strides = array<i32>} : memref<8192xf32, #tpu.memory_space<vmem>>, vector<16xf32>,
        %add3A_139 = arith.constant 0 : i32
        %add3A_140 = vector.broadcast %add3A_139 : i32 to vector<16xi32>
        %add3A_141 = arith.addi %iota3A_134, %add3A_140 : vector<16xi32>
        %masked_sort3A_142 = arith.constant dense<true> : vector<16xi1>
        %masked_sort3A_143, %masked_sort3A_144, %masked_sort3A_145 = tpu.sort %get3A_138, %add3A_141 masked %masked_sort3A_142 {descending = true} : (vector<16xf32>, vector<16xi32>, vector<16xi1>) -> (vector<16xi1>, vector<16xf32>, vector<16xi32>)
        %add3A_146 = arith.constant 16 : i32
        %add3A_147 = arith.addi %mul3A_133, %add3A_146 : i32
        %get3A_148 = arith.index_cast %add3A_147 : i32 to index
        %get3A_149 = tpu.vector_load %arg5[%get3A_148] {strides = array<i32>} : memref<8192xf32, #tpu.memory_space<vmem>>, vector<16xf32>,
        %add3A_150 = arith.constant 16 : i32
        %add3A_151 = vector.broadcast %add3A_150 : i32 to vector<16xi32>
        %add3A_152 = arith.addi %iota3A_134, %add3A_151 : vector<16xi32>
        %masked_sort3A_153 = arith.constant dense<true> : vector<16xi1>
        %masked_sort3A_154, %masked_sort3A_155, %masked_sort3A_156 = tpu.sort %get3A_149, %add3A_152 masked %masked_sort3A_153 {descending = true} : (vector<16xf32>, vector<16xi32>, vector<16xi1>) -> (vector<16xi1>, vector<16xf32>, vector<16xi32>)
        %add3A_157 = arith.constant 32 : i32
        %add3A_158 = arith.addi %mul3A_133, %add3A_157 : i32
        %get3A_159 = arith.index_cast %add3A_158 : i32 to index
        %get3A_160 = tpu.vector_load %arg5[%get3A_159] {strides = array<i32>} : memref<8192xf32, #tpu.memory_space<vmem>>, vector<16xf32>,
        %add3A_161 = arith.constant 32 : i32
        %add3A_162 = vector.broadcast %add3A_161 : i32 to vector<16xi32>
        %add3A_163 = arith.addi %iota3A_134, %add3A_162 : vector<16xi32>
        %masked_sort3A_164 = arith.constant dense<true> : vector<16xi1>
        %masked_sort3A_165, %masked_sort3A_166, %masked_sort3A_167 = tpu.sort %get3A_160, %add3A_163 masked %masked_sort3A_164 {descending = true} : (vector<16xf32>, vector<16xi32>, vector<16xi1>) -> (vector<16xi1>, vector<16xf32>, vector<16xi32>)
        %add3A_168 = arith.constant 48 : i32
        %add3A_169 = arith.addi %mul3A_133, %add3A_168 : i32
        %get3A_170 = arith.index_cast %add3A_169 : i32 to index
        %get3A_171 = tpu.vector_load %arg5[%get3A_170] {strides = array<i32>} : memref<8192xf32, #tpu.memory_space<vmem>>, vector<16xf32>,
        %add3A_172 = arith.constant 48 : i32
        %add3A_173 = vector.broadcast %add3A_172 : i32 to vector<16xi32>
        %add3A_174 = arith.addi %iota3A_134, %add3A_173 : vector<16xi32>
        %masked_sort3A_175 = arith.constant dense<true> : vector<16xi1>
        %masked_sort3A_176, %masked_sort3A_177, %masked_sort3A_178 = tpu.sort %get3A_171, %add3A_174 masked %masked_sort3A_175 {descending = true} : (vector<16xf32>, vector<16xi32>, vector<16xi1>) -> (vector<16xi1>, vector<16xf32>, vector<16xi32>)
        %rev3A_179 = arith.constant 15 : i32
        %rev3A_180 = vector.broadcast %rev3A_179 : i32 to vector<16xi32>
        %rev3A_181 = tpu.iota {dimensions = array<i32: 0>} : vector<16xi32>
        %rev3A_182 = arith.subi %rev3A_180, %rev3A_181 : vector<16xi32>
        %rev3A_183 = tpu.dynamic_gather %masked_sort3A_155[%rev3A_182] in [0] : vector<16xf32>, vector<16xi32> -> vector<16xf32>
        %rev3A_184 = arith.constant 15 : i32
        %rev3A_185 = vector.broadcast %rev3A_184 : i32 to vector<16xi32>
        %rev3A_186 = tpu.iota {dimensions = array<i32: 0>} : vector<16xi32>
        %rev3A_187 = arith.subi %rev3A_185, %rev3A_186 : vector<16xi32>
        %rev3A_188 = tpu.dynamic_gather %masked_sort3A_156[%rev3A_187] in [0] : vector<16xi32>, vector<16xi32> -> vector<16xi32>
        %ge3A_189 = arith.cmpf oge, %masked_sort3A_144, %rev3A_183 : vector<16xf32>
        %select_n3A_190 = arith.select %ge3A_189, %masked_sort3A_144, %rev3A_183 : vector<16xi1>, vector<16xf32>
        %select_n3A_191 = arith.select %ge3A_189, %masked_sort3A_145, %rev3A_188 : vector<16xi1>, vector<16xi32>
        %masked_sort3A_192 = arith.constant dense<true> : vector<16xi1>
        %masked_sort3A_193, %masked_sort3A_194, %masked_sort3A_195 = tpu.sort %select_n3A_190, %select_n3A_191 masked %masked_sort3A_192 {descending = true} : (vector<16xf32>, vector<16xi32>, vector<16xi1>) -> (vector<16xi1>, vector<16xf32>, vector<16xi32>)
        %rev3A_196 = arith.constant 15 : i32
        %rev3A_197 = vector.broadcast %rev3A_196 : i32 to vector<16xi32>
        %rev3A_198 = tpu.iota {dimensions = array<i32: 0>} : vector<16xi32>
        %rev3A_199 = arith.subi %rev3A_197, %rev3A_198 : vector<16xi32>
        %rev3A_200 = tpu.dynamic_gather %masked_sort3A_177[%rev3A_199] in [0] : vector<16xf32>, vector<16xi32> -> vector<16xf32>
        %rev3A_201 = arith.constant 15 : i32
        %rev3A_202 = vector.broadcast %rev3A_201 : i32 to vector<16xi32>
        %rev3A_203 = tpu.iota {dimensions = array<i32: 0>} : vector<16xi32>
        %rev3A_204 = arith.subi %rev3A_202, %rev3A_203 : vector<16xi32>
        %rev3A_205 = tpu.dynamic_gather %masked_sort3A_178[%rev3A_204] in [0] : vector<16xi32>, vector<16xi32> -> vector<16xi32>
        %ge3A_206 = arith.cmpf oge, %masked_sort3A_166, %rev3A_200 : vector<16xf32>
        %select_n3A_207 = arith.select %ge3A_206, %masked_sort3A_166, %rev3A_200 : vector<16xi1>, vector<16xf32>
        %select_n3A_208 = arith.select %ge3A_206, %masked_sort3A_167, %rev3A_205 : vector<16xi1>, vector<16xi32>
        %masked_sort3A_209 = arith.constant dense<true> : vector<16xi1>
        %masked_sort3A_210, %masked_sort3A_211, %masked_sort3A_212 = tpu.sort %select_n3A_207, %select_n3A_208 masked %masked_sort3A_209 {descending = true} : (vector<16xf32>, vector<16xi32>, vector<16xi1>) -> (vector<16xi1>, vector<16xf32>, vector<16xi32>)
        %rev3A_213 = arith.constant 15 : i32
        %rev3A_214 = vector.broadcast %rev3A_213 : i32 to vector<16xi32>
        %rev3A_215 = tpu.iota {dimensions = array<i32: 0>} : vector<16xi32>
        %rev3A_216 = arith.subi %rev3A_214, %rev3A_215 : vector<16xi32>
        %rev3A_217 = tpu.dynamic_gather %masked_sort3A_211[%rev3A_216] in [0] : vector<16xf32>, vector<16xi32> -> vector<16xf32>
        %rev3A_218 = arith.constant 15 : i32
        %rev3A_219 = vector.broadcast %rev3A_218 : i32 to vector<16xi32>
        %rev3A_220 = tpu.iota {dimensions = array<i32: 0>} : vector<16xi32>
        %rev3A_221 = arith.subi %rev3A_219, %rev3A_220 : vector<16xi32>
        %rev3A_222 = tpu.dynamic_gather %masked_sort3A_212[%rev3A_221] in [0] : vector<16xi32>, vector<16xi32> -> vector<16xi32>
        %ge3A_223 = arith.cmpf oge, %masked_sort3A_194, %rev3A_217 : vector<16xf32>
        %select_n3A_224 = arith.select %ge3A_223, %masked_sort3A_194, %rev3A_217 : vector<16xi1>, vector<16xf32>
        %select_n3A_225 = arith.select %ge3A_223, %masked_sort3A_195, %rev3A_222 : vector<16xi1>, vector<16xi32>
        %masked_sort3A_226 = arith.constant dense<true> : vector<16xi1>
        %masked_sort3A_227, %masked_sort3A_228, %masked_sort3A_229 = tpu.sort %select_n3A_224, %select_n3A_225 masked %masked_sort3A_226 {descending = true} : (vector<16xf32>, vector<16xi32>, vector<16xi1>) -> (vector<16xi1>, vector<16xf32>, vector<16xi32>)
        %mul3A_230 = arith.constant 8 : i32
        %mul3A_231 = arith.muli %add3A_131, %mul3A_230 : i32
        %add3A_232 = vector.broadcast %mul3A_231 : i32 to vector<16xi32>
        %add3A_233 = arith.addi %add3A_232, %iota3A : vector<16xi32>
        tpu.vector_store_idx %arg6[%add3A_233], %masked_sort3A_228 masked %lt3A_4 : memref<1024xf32, #tpu.memory_space<vmem>>[vector<16xi32>], vector<16xf32>, vector<16xi1>
        tpu.vector_store_idx %arg7[%add3A_233], %masked_sort3A_229 masked %lt3A_4 : memref<1024xi32, #tpu.memory_space<vmem>>[vector<16xi32>], vector<16xi32>, vector<16xi1>
      }
      %scan3A_21 = arith.constant 64 : i32
      %mul3A_22 = arith.constant 8 : i32
      %mul3A_23 = arith.muli %add3A_13, %mul3A_22 : i32
      "tpu.region"() ({
        %run_scoped3A = tpu.sem_alloc : memref<!tpu.dma_semaphore, #tpu.memory_space<semaphore_mem>>
        %dma_start3A = arith.constant 0 : i32
        %dma_start3A_26 = tpu.memref_slice %arg6[%dma_start3A] : memref<1024xf32, #tpu.memory_space<vmem>> -> memref<1024xf32, #tpu.memory_space<vmem>>
        %dma_start3A_27 = tpu.memref_slice %arg4[%mul3A_23] : memref<262144xf32, #tpu.memory_space<hbm>> -> memref<1024xf32, #tpu.memory_space<hbm>>
        %dma_start3A_28 = tpu.memref_slice %arg4[%mul3A_23] : memref<262144xf32, #tpu.memory_space<hbm>> -> memref<1024xf32, #tpu.memory_space<hbm>>
        %dma_start3A_29 = arith.constant 0 : i32
        %dma_start3A_30 = tpu.memref_slice %arg6[%dma_start3A_29] : memref<1024xf32, #tpu.memory_space<vmem>> -> memref<1024xf32, #tpu.memory_space<vmem>>
        tpu.enqueue_dma source(%dma_start3A_30 : memref<1024xf32, #tpu.memory_space<vmem>>) target(%dma_start3A_28 : memref<1024xf32, #tpu.memory_space<hbm>>) target_semaphore(%run_scoped3A : memref<!tpu.dma_semaphore, #tpu.memory_space<semaphore_mem>>)
        %dma_wait3A = arith.constant 0 : i32
        %dma_wait3A_31 = tpu.memref_slice %arg6[%dma_wait3A] : memref<1024xf32, #tpu.memory_space<vmem>> -> memref<1024xf32, #tpu.memory_space<vmem>>
        %dma_wait3A_32 = tpu.memref_slice %arg4[%mul3A_23] : memref<262144xf32, #tpu.memory_space<hbm>> -> memref<1024xf32, #tpu.memory_space<hbm>>
        %dma_wait3A_33 = tpu.memref_slice %arg4[%mul3A_23] : memref<262144xf32, #tpu.memory_space<hbm>> -> memref<1024xf32, #tpu.memory_space<hbm>>
        %dma_wait3A_34 = arith.constant 0 : i32
        %dma_wait3A_35 = tpu.memref_slice %arg6[%dma_wait3A_34] : memref<1024xf32, #tpu.memory_space<vmem>> -> memref<1024xf32, #tpu.memory_space<vmem>>
        tpu.wait_dma2 semaphore(%run_scoped3A : memref<!tpu.dma_semaphore, #tpu.memory_space<semaphore_mem>>) src(%dma_wait3A_35 : memref<1024xf32, #tpu.memory_space<vmem>>) dst(%dma_wait3A_33 : memref<1024xf32, #tpu.memory_space<hbm>>)
        tpu.yield
      }) : () -> ()
      %mul3A_24 = arith.constant 8 : i32
      %mul3A_25 = arith.muli %add3A_13, %mul3A_24 : i32
      "tpu.region"() ({
        %run_scoped3A = tpu.sem_alloc : memref<!tpu.dma_semaphore, #tpu.memory_space<semaphore_mem>>
        %dma_start3A = arith.constant 0 : i32
        %dma_start3A_26 = tpu.memref_slice %arg7[%dma_start3A] : memref<1024xi32, #tpu.memory_space<vmem>> -> memref<1024xi32, #tpu.memory_space<vmem>>
        %dma_start3A_27 = tpu.memref_slice %arg3[%mul3A_25] : memref<262144xi32, #tpu.memory_space<hbm>> -> memref<1024xi32, #tpu.memory_space<hbm>>
        %dma_start3A_28 = tpu.memref_slice %arg3[%mul3A_25] : memref<262144xi32, #tpu.memory_space<hbm>> -> memref<1024xi32, #tpu.memory_space<hbm>>
        %dma_start3A_29 = arith.constant 0 : i32
        %dma_start3A_30 = tpu.memref_slice %arg7[%dma_start3A_29] : memref<1024xi32, #tpu.memory_space<vmem>> -> memref<1024xi32, #tpu.memory_space<vmem>>
        tpu.enqueue_dma source(%dma_start3A_30 : memref<1024xi32, #tpu.memory_space<vmem>>) target(%dma_start3A_28 : memref<1024xi32, #tpu.memory_space<hbm>>) target_semaphore(%run_scoped3A : memref<!tpu.dma_semaphore, #tpu.memory_space<semaphore_mem>>)
        %dma_wait3A = arith.constant 0 : i32
        %dma_wait3A_31 = tpu.memref_slice %arg7[%dma_wait3A] : memref<1024xi32, #tpu.memory_space<vmem>> -> memref<1024xi32, #tpu.memory_space<vmem>>
        %dma_wait3A_32 = tpu.memref_slice %arg3[%mul3A_25] : memref<262144xi32, #tpu.memory_space<hbm>> -> memref<1024xi32, #tpu.memory_space<hbm>>
        %dma_wait3A_33 = tpu.memref_slice %arg3[%mul3A_25] : memref<262144xi32, #tpu.memory_space<hbm>> -> memref<1024xi32, #tpu.memory_space<hbm>>
        %dma_wait3A_34 = arith.constant 0 : i32
        %dma_wait3A_35 = tpu.memref_slice %arg7[%dma_wait3A_34] : memref<1024xi32, #tpu.memory_space<vmem>> -> memref<1024xi32, #tpu.memory_space<vmem>>
        tpu.wait_dma2 semaphore(%run_scoped3A : memref<!tpu.dma_semaphore, #tpu.memory_space<semaphore_mem>>) src(%dma_wait3A_35 : memref<1024xi32, #tpu.memory_space<vmem>>) dst(%dma_wait3A_33 : memref<1024xi32, #tpu.memory_space<hbm>>)
        tpu.yield
      }) : () -> ()
    }
    %scan3A_9 = arith.constant 8 : i32
    return
  }
}

module attributes {stable_mosaic.version = 14 : i64} {
  func.func @_dense_body(%arg0: i32, %arg1: memref<64x768xf32, #tpu.memory_space<vmem>>, %arg2: memref<64x1xf32, #tpu.memory_space<vmem>>, %arg3: memref<4096x768xf32, #tpu.memory_space<vmem>>, %arg4: memref<4096x64xf32, #tpu.memory_space<vmem>>, %arg5: memref<1x1xf32, #tpu.memory_space<smem>>, %arg6: memref<64x128xf32, #tpu.memory_space<vmem>>) attributes {dimension_semantics = [#tpu.dimension_semantics<arbitrary>], iteration_bounds = array<i64: 8>, scalar_prefetch = 0 : i64, scratch_operands = 1 : i64, tpu.core_type = #tpu.core_type<tc>, window_params = [{pipeline_mode = #tpu.pipeline_mode<synchronous>, transform_indices = @transform_0, window_bounds = array<i64: 64, 768>}, {pipeline_mode = #tpu.pipeline_mode<synchronous>, transform_indices = @transform_1, window_bounds = array<i64: 64, 1>}, {transform_indices = @transform_2, window_bounds = array<i64: 4096, 768>}, {transform_indices = @transform_3, window_bounds = array<i64: 4096, 64>}, {transform_indices = @transform_4, window_bounds = array<i64: 1, 1>}]} {
    %eq3A = arith.constant 0 : i32
    %eq3A_0 = arith.cmpi eq, %arg0, %eq3A : i32
    %convert_element_type3A = arith.extui %eq3A_0 : i1 to i32
    %cond3A = arith.constant 0 : i32
    %cond3A_1 = arith.cmpi ne, %convert_element_type3A, %cond3A : i32
    scf.if %cond3A_1 {
      %broadcast_in_dim3A_64 = arith.constant 0.000000e+00 : f32
      %broadcast_in_dim3A_65 = vector.broadcast %broadcast_in_dim3A_64 : f32 to vector<64x128xf32>
      %swap3A_66 = arith.constant 0 : index
      %swap3A_67 = arith.constant 0 : index
      %swap3A_68 = vector.load %arg6[%swap3A_66, %swap3A_67] : memref<64x128xf32, #tpu.memory_space<vmem>>, vector<64x128xf32>
      tpu.vector_store %arg6[%swap3A_66, %swap3A_67], %broadcast_in_dim3A_65 {strides = array<i32>} : memref<64x128xf32, #tpu.memory_space<vmem>>, vector<64x128xf32>,
    } else {
    }
    %get3A = arith.constant 0 : index
    %get3A_2 = arith.constant 0 : index
    %get3A_3 = vector.load %arg1[%get3A, %get3A_2] : memref<64x768xf32, #tpu.memory_space<vmem>>, vector<64x768xf32>
    %get3A_4 = arith.constant 0 : index
    %get3A_5 = arith.constant 0 : index
    %get3A_6 = vector.load %arg3[%get3A_4, %get3A_5] : memref<4096x768xf32, #tpu.memory_space<vmem>>, vector<4096x768xf32>
    %dot_general3A = arith.constant dense<0.000000e+00> : vector<64x4096xf32>
    %dot_general3A_7 = tpu.matmul %get3A_3, %get3A_6, %dot_general3A {dimension_numbers = #tpu.dot_dimension_numbers<[1], [1], [0], [0], [0, 0, 1, 0], [], []>, transpose_lhs_hint = false} : vector<64x768xf32>, vector<4096x768xf32>, vector<64x4096xf32> -> vector<64x4096xf32>
    %get3A_8 = arith.constant 0 : index
    %get3A_9 = arith.constant 0 : index
    %get3A_10 = vector.load %arg2[%get3A_8, %get3A_9] : memref<64x1xf32, #tpu.memory_space<vmem>>, vector<64x1xf32>
    %add3A = vector.broadcast %get3A_10 : vector<64x1xf32> to vector<64x4096xf32>
    %add3A_11 = arith.addf %dot_general3A_7, %add3A : vector<64x4096xf32>
    %slice3A = vector.extract_strided_slice %add3A_11 {offsets = [0, 0], sizes = [32, 4096], strides = [1, 1]} : vector<64x4096xf32> to vector<32x4096xf32>
    %slice3A_12 = vector.extract_strided_slice %add3A_11 {offsets = [32, 0], sizes = [32, 4096], strides = [1, 1]} : vector<64x4096xf32> to vector<32x4096xf32>
    %max3A = arith.maximumf %slice3A, %slice3A_12 : vector<32x4096xf32>
    %slice3A_13 = vector.extract_strided_slice %max3A {offsets = [0, 0], sizes = [16, 4096], strides = [1, 1]} : vector<32x4096xf32> to vector<16x4096xf32>
    %slice3A_14 = vector.extract_strided_slice %max3A {offsets = [16, 0], sizes = [16, 4096], strides = [1, 1]} : vector<32x4096xf32> to vector<16x4096xf32>
    %max3A_15 = arith.maximumf %slice3A_13, %slice3A_14 : vector<16x4096xf32>
    %slice3A_16 = vector.extract_strided_slice %max3A_15 {offsets = [0, 0], sizes = [8, 4096], strides = [1, 1]} : vector<16x4096xf32> to vector<8x4096xf32>
    %slice3A_17 = vector.extract_strided_slice %max3A_15 {offsets = [8, 0], sizes = [8, 4096], strides = [1, 1]} : vector<16x4096xf32> to vector<8x4096xf32>
    %max3A_18 = arith.maximumf %slice3A_16, %slice3A_17 : vector<8x4096xf32>
    %reduce_max3A = arith.constant dense<0xFF800000> : vector<4096xf32>
    %reduce_max3A_19 = vector.multi_reduction <maximumf>, %max3A_18, %reduce_max3A [0] : vector<8x4096xf32> to vector<4096xf32>
    %broadcast_in_dim3A = vector.shape_cast %reduce_max3A_19 : vector<4096xf32> to vector<1x4096xf32>
    %sub3A = vector.broadcast %broadcast_in_dim3A : vector<1x4096xf32> to vector<64x4096xf32>
    %sub3A_20 = arith.subf %add3A_11, %sub3A : vector<64x4096xf32>
    %exp3A = math.exp %sub3A_20 : vector<64x4096xf32>
    %slice3A_21 = vector.extract_strided_slice %exp3A {offsets = [0, 0], sizes = [32, 4096], strides = [1, 1]} : vector<64x4096xf32> to vector<32x4096xf32>
    %slice3A_22 = vector.extract_strided_slice %exp3A {offsets = [32, 0], sizes = [32, 4096], strides = [1, 1]} : vector<64x4096xf32> to vector<32x4096xf32>
    %add3A_23 = arith.addf %slice3A_21, %slice3A_22 : vector<32x4096xf32>
    %slice3A_24 = vector.extract_strided_slice %add3A_23 {offsets = [0, 0], sizes = [16, 4096], strides = [1, 1]} : vector<32x4096xf32> to vector<16x4096xf32>
    %slice3A_25 = vector.extract_strided_slice %add3A_23 {offsets = [16, 0], sizes = [16, 4096], strides = [1, 1]} : vector<32x4096xf32> to vector<16x4096xf32>
    %add3A_26 = arith.addf %slice3A_24, %slice3A_25 : vector<16x4096xf32>
    %slice3A_27 = vector.extract_strided_slice %add3A_26 {offsets = [0, 0], sizes = [8, 4096], strides = [1, 1]} : vector<16x4096xf32> to vector<8x4096xf32>
    %slice3A_28 = vector.extract_strided_slice %add3A_26 {offsets = [8, 0], sizes = [8, 4096], strides = [1, 1]} : vector<16x4096xf32> to vector<8x4096xf32>
    %add3A_29 = arith.addf %slice3A_27, %slice3A_28 : vector<8x4096xf32>
    %reduce_sum3A = arith.constant dense<0.000000e+00> : vector<4096xf32>
    %reduce_sum3A_30 = vector.multi_reduction <add>, %add3A_29, %reduce_sum3A [0] : vector<8x4096xf32> to vector<4096xf32>
    %broadcast_in_dim3A_31 = vector.shape_cast %reduce_sum3A_30 : vector<4096xf32> to vector<1x4096xf32>
    %div3A = arith.constant 1.000000e+00 : f32
    %div3A_32 = vector.broadcast %div3A : f32 to vector<1x4096xf32>
    %div3A_33 = arith.divf %div3A_32, %broadcast_in_dim3A_31 : vector<1x4096xf32>
    %mul3A = vector.broadcast %div3A_33 : vector<1x4096xf32> to vector<64x4096xf32>
    %mul3A_34 = arith.mulf %exp3A, %mul3A : vector<64x4096xf32>
    %transpose3A = tpu.transpose %mul3A_34, [1, 0] : vector<64x4096xf32> -> vector<4096x64xf32>
    %swap3A = arith.constant 0 : index
    %swap3A_35 = arith.constant 0 : index
    %swap3A_36 = vector.load %arg4[%swap3A, %swap3A_35] : memref<4096x64xf32, #tpu.memory_space<vmem>>, vector<4096x64xf32>
    tpu.vector_store %arg4[%swap3A, %swap3A_35], %transpose3A {strides = array<i32>} : memref<4096x64xf32, #tpu.memory_space<vmem>>, vector<4096x64xf32>,
    %slice3A_37 = vector.extract_strided_slice %mul3A_34 {offsets = [0, 0], sizes = [64, 2048], strides = [1, 1]} : vector<64x4096xf32> to vector<64x2048xf32>
    %slice3A_38 = vector.extract_strided_slice %mul3A_34 {offsets = [0, 2048], sizes = [64, 2048], strides = [1, 1]} : vector<64x4096xf32> to vector<64x2048xf32>
    %add3A_39 = arith.addf %slice3A_37, %slice3A_38 : vector<64x2048xf32>
    %slice3A_40 = vector.extract_strided_slice %add3A_39 {offsets = [0, 0], sizes = [64, 1024], strides = [1, 1]} : vector<64x2048xf32> to vector<64x1024xf32>
    %slice3A_41 = vector.extract_strided_slice %add3A_39 {offsets = [0, 1024], sizes = [64, 1024], strides = [1, 1]} : vector<64x2048xf32> to vector<64x1024xf32>
    %add3A_42 = arith.addf %slice3A_40, %slice3A_41 : vector<64x1024xf32>
    %slice3A_43 = vector.extract_strided_slice %add3A_42 {offsets = [0, 0], sizes = [64, 512], strides = [1, 1]} : vector<64x1024xf32> to vector<64x512xf32>
    %slice3A_44 = vector.extract_strided_slice %add3A_42 {offsets = [0, 512], sizes = [64, 512], strides = [1, 1]} : vector<64x1024xf32> to vector<64x512xf32>
    %add3A_45 = arith.addf %slice3A_43, %slice3A_44 : vector<64x512xf32>
    %slice3A_46 = vector.extract_strided_slice %add3A_45 {offsets = [0, 0], sizes = [64, 256], strides = [1, 1]} : vector<64x512xf32> to vector<64x256xf32>
    %slice3A_47 = vector.extract_strided_slice %add3A_45 {offsets = [0, 256], sizes = [64, 256], strides = [1, 1]} : vector<64x512xf32> to vector<64x256xf32>
    %add3A_48 = arith.addf %slice3A_46, %slice3A_47 : vector<64x256xf32>
    %slice3A_49 = vector.extract_strided_slice %add3A_48 {offsets = [0, 0], sizes = [64, 128], strides = [1, 1]} : vector<64x256xf32> to vector<64x128xf32>
    %slice3A_50 = vector.extract_strided_slice %add3A_48 {offsets = [0, 128], sizes = [64, 128], strides = [1, 1]} : vector<64x256xf32> to vector<64x128xf32>
    %add3A_51 = arith.addf %slice3A_49, %slice3A_50 : vector<64x128xf32>
    %get3A_52 = arith.constant 0 : index
    %get3A_53 = arith.constant 0 : index
    %get3A_54 = vector.load %arg6[%get3A_52, %get3A_53] : memref<64x128xf32, #tpu.memory_space<vmem>>, vector<64x128xf32>
    %add3A_55 = arith.addf %get3A_54, %add3A_51 : vector<64x128xf32>
    %swap3A_56 = arith.constant 0 : index
    %swap3A_57 = arith.constant 0 : index
    %swap3A_58 = vector.load %arg6[%swap3A_56, %swap3A_57] : memref<64x128xf32, #tpu.memory_space<vmem>>, vector<64x128xf32>
    tpu.vector_store %arg6[%swap3A_56, %swap3A_57], %add3A_55 {strides = array<i32>} : memref<64x128xf32, #tpu.memory_space<vmem>>, vector<64x128xf32>,
    %eq3A_59 = arith.constant 7 : i32
    %eq3A_60 = arith.cmpi eq, %arg0, %eq3A_59 : i32
    %convert_element_type3A_61 = arith.extui %eq3A_60 : i1 to i32
    %cond3A_62 = arith.constant 0 : i32
    %cond3A_63 = arith.cmpi ne, %convert_element_type3A_61, %cond3A_62 : i32
    scf.if %cond3A_63 {
      %get3A_64 = arith.constant 0 : index
      %get3A_65 = arith.constant 0 : index
      %get3A_66 = vector.load %arg6[%get3A_64, %get3A_65] : memref<64x128xf32, #tpu.memory_space<vmem>>, vector<64x128xf32>
      %reduce_sum3A_67 = arith.constant dense<0.000000e+00> : vector<64xf32>
      %reduce_sum3A_68 = vector.multi_reduction <add>, %get3A_66, %reduce_sum3A_67 [1] : vector<64x128xf32> to vector<64xf32>
      %broadcast_in_dim3A_69 = vector.shape_cast %reduce_sum3A_68 : vector<64xf32> to vector<64x1xf32>
      %mul3A_70 = arith.constant 3.05175781E-5 : f32
      %mul3A_71 = vector.broadcast %mul3A_70 : f32 to vector<64x1xf32>
      %mul3A_72 = arith.mulf %broadcast_in_dim3A_69, %mul3A_71 : vector<64x1xf32>
      %mul3A_73 = arith.mulf %mul3A_72, %mul3A_72 : vector<64x1xf32>
      %reduce_sum3A_74 = vector.shape_cast %mul3A_73 : vector<64x1xf32> to vector<1x64x1xf32>
      %reduce_sum3A_75 = arith.constant dense<0.000000e+00> : vector<1xf32>
      %reduce_sum3A_76 = vector.multi_reduction <add>, %reduce_sum3A_74, %reduce_sum3A_75 [1, 2] : vector<1x64x1xf32> to vector<1xf32>
      %reduce_sum3A_77 = vector.shape_cast %reduce_sum3A_76 : vector<1xf32> to vector<1x1x1xf32>
      %reduce_sum3A_78 = vector.extract %reduce_sum3A_77[0, 0, 0] : f32 from vector<1x1x1xf32>
      %mul3A_79 = arith.constant 6.400000e+01 : f32
      %mul3A_80 = arith.mulf %reduce_sum3A_78, %mul3A_79 : f32
      %swap3A_81 = arith.constant 0 : index
      %swap3A_82 = arith.constant 0 : index
      %swap3A_83 = memref.load %arg5[%swap3A_81, %swap3A_82] : memref<1x1xf32, #tpu.memory_space<smem>>
      memref.store %mul3A_80, %arg5[%swap3A_81, %swap3A_82] : memref<1x1xf32, #tpu.memory_space<smem>>
    } else {
    }
    return
  }
  func.func @transform_0(%arg0: i32) -> (i32, i32) {
    %c0_i32 = arith.constant 0 : i32
    %c0_i32_0 = arith.constant 0 : i32
    %c0_i32_1 = arith.constant 0 : i32
    return %c0_i32, %c0_i32_0 : i32, i32
  }
  func.func @transform_1(%arg0: i32) -> (i32, i32) {
    %c0_i32 = arith.constant 0 : i32
    %c0_i32_0 = arith.constant 0 : i32
    %c0_i32_1 = arith.constant 0 : i32
    return %c0_i32, %c0_i32_0 : i32, i32
  }
  func.func @transform_2(%arg0: i32) -> (i32, i32) {
    %c0_i32 = arith.constant 0 : i32
    %c0_i32_0 = arith.constant 0 : i32
    return %arg0, %c0_i32 : i32, i32
  }
  func.func @transform_3(%arg0: i32) -> (i32, i32) {
    %c0_i32 = arith.constant 0 : i32
    %c0_i32_0 = arith.constant 0 : i32
    return %arg0, %c0_i32 : i32, i32
  }
  func.func @transform_4(%arg0: i32) -> (i32, i32) {
    %c0_i32 = arith.constant 0 : i32
    %c0_i32_0 = arith.constant 0 : i32
    %c0_i32_1 = arith.constant 0 : i32
    return %c0_i32, %c0_i32_0 : i32, i32
  }
}

</mosaic_0001>

<sc_bundles>
// kernel: kernel.4.cloned.1.call-start
scs
__scs_entry_jumppad:
0x0: {  	(pc) =	sbr.rel $0x88, $3  }
0x1: {  	(tag) =	ssettag $0x0;
	lr =	simm.s32 $0x1  }
0x2: {  	[smem:$0x3F9E] =	sst lr;
	_ =	strace $0xD0000000  }
0x3: {  	_ = 	snop  }
0x4: {  	_ = 	snop  }
0x5: {  	_ = 	snop  }
0x6: {  	_ = 	snop  }
0x7: {  	_ = 	snop  }
__scs_overlays_trampoline_lowered:
0x8: {  	[smem:$0x3FAD] =	sst s0  }
0x9: {  	[smem:$0x3FAE] =	sst s1  }
0xa: {  	[smem:$0x3FAF] =	sst s2  }
0xb: {  	[smem:$0x3FB0] =	sst s3  }
0xc: {  	[smem:$0x3FB1] =	sst s4  }
0xd: {  	[smem:$0x3FB2] =	sst s5  }
0xe: {  	[smem:$0x3FB3] =	sst s6  }
0xf: {  	[smem:$0x3FB4] =	sst s7  }
0x10: {  	[smem:$0x3FB5] =	sst s8  }
0x11: {  	[smem:$0x3FB6] =	sst s9;
	s0 =	simm.s32 @!p0 $0x0  }
0x12: {  	s1 =	sld [smem:$0x3F9C];
	s0 =	simm.s32 @p0 $0x1  }
0x13: {  	[smem:$0x3FB7] =	sst s0;
	s0 =	simm.s32 @!p1 $0x0  }
0x14: {  	s2 =	sld [smem:$0x3F9B];
	s0 =	simm.s32 @p1 $0x1  }
0x15: {  	[smem:$0x3FB8] =	sst s0;
	s0 =	simm.s32 @!p2 $0x0  }
0x16: {  	s3 =	sld [smem:$0x3FDB];
	s0 =	simm.s32 @p2 $0x1  }
0x17: {  	s4 =	simm.s32 $0x1BF5;
	[smem:$0x3FBA] =	sst s0  }
0x18: {  	s0 =	sld [smem:$0x3F9D];
	_ =	swait.ge [sflag:s4], $0x0  }
0x19: {  	s7 =	sld [smem:$0x3F9E]  }
0x1a: {  	s8 =	sadd.s32 $0xFFFFE003, lr  }
0x1b: {  	s9 =	sadd.s32 $0xFFFFFEF7, lr;
	s5 =	simm.s32 $0xFFFFFFFF;
	p2 =	slt.u32 s8, $0xFFFFF086  }
0x1c: {  	p1 =	slt.u32 s9, $0xF7A;
	s5 =	simm.s32 @!p2 $0x0  }
0x1d: {  	s5 =	simm.s32 @p1 $0x1;
	p0 =	seq.s32 s7, s2  }
0x1e: {  	s7 =	smul.u32 @!p0 $0xF7A, s2;
	p2 =	seq.s32 @!p0 s5, $0x0  }
0x1f: {  	s9 =	smul.u32 $0xF7A, s1;
	s8 =	simm.s32 @!p0 $0x1BF5;
	p2 =	por !p2, p0  }
0x20: {  	[sflag:s8] =	ssyncset.s32 @!p0 $0xFFFFF086;
	s6 =	sadd.s32 @!p0 s3, s7;
	s7 =	simm.s32 @!p0 $0x108  }
0x21: {  	s3 =	sadd.s32 s3, s9;
	s6 =	sadd.s32 @!p0 $0x88, s6;
	s7 =	simm.s32 @p2 $0x1082  }
0x22: {  	[simem:s7], [sflag:s8] =	dma.local @!p0 [hbm:s6], $0xF7A  }
0x23: {  	s9 =	sor.u32 $0xD0000000, s2;
	s6 =	simm.s32 $0x108;
	_ =	swait.ge @!p0 [sflag:s8], $0x0  }
0x24: {  	s3 =	sadd.s32 $0x88, s3;
	s6 =	simm.s32 @!p1 $0x1082;
	[sflag:s4] =	ssyncset.s32 $0xFFFFF086  }
0x25: {  	[simem:s6], [sflag:s4] =	dma.local [hbm:s3], $0xF7A  }
0x26: {  	[smem:$0x3F9E] =	sst s1;
	(tag) =	ssettag s2;
	_ =	strace s9  }
0x27: {  	s1 =	sld [smem:$0x3FAE]  }
0x28: {  	s2 =	sld [smem:$0x3FAF]  }
0x29: {  	s4 =	sld [smem:$0x3FB1]  }
0x2a: {  	p0 =	seq.s32 s5, $0x0;
	s5 =	sld [smem:$0x3FB2]  }
0x2b: {  	s6 =	sld [smem:$0x3FB3]  }
0x2c: {  	s7 =	sld [smem:$0x3FB4]  }
0x2d: {  	s3 =	simm.s32 $0x108;
	s8 =	sld [smem:$0x3FB5]  }
0x2e: {  	s3 =	simm.s32 @!p0 $0x1082;
	s9 =	sld [smem:$0x3FB6]  }
0x2f: {  	lr =	sadd.s32 s0, s3;
	s0 =	sld [smem:$0x3FAD]  }
0x30: {  	s3 =	sld [smem:$0x3FB0]  }
0x31: {  	[smem:$0x3FB9] =	sst s10  }
0x32: {  	s10 =	sld [smem:$0x3FB7];
	_ =	sdelay $0x3  }
0x33: {  	p0 =	seq.s32 s10, $0x1;
	s10 =	sld [smem:$0x3FB9];
	_ =	sdelay $0x3  }
0x34: {  	[smem:$0x3FB9] =	sst s10  }
0x35: {  	s10 =	sld [smem:$0x3FB8];
	_ =	sdelay $0x3  }
0x36: {  	p1 =	seq.s32 s10, $0x1;
	s10 =	sld [smem:$0x3FB9];
	_ =	sdelay $0x3  }
0x37: {  	[smem:$0x3FB9] =	sst s10  }
0x38: {  	s10 =	sld [smem:$0x3FBA]  }
0x39: {  	_ = 	snop;
	(pc) =	sbr.ind lr, $3  }
0x3a: {  	_ = 	snop  }
0x3b: {  	_ = 	snop  }
0x3c: {  	p2 =	seq.s32 s10, $0x1;
	s10 =	sld [smem:$0x3FB9]  }
0x3d: {  	_ =	shalt  }
0x3e: {  	_ =	shalt  }
0x3f: {  	_ =	shalt  }
0x40: {  	_ =	shalt  }
0x41: {  	_ =	shalt  }
0x42: {  	_ =	shalt  }
0x43: {  	_ =	shalt  }
0x44: {  	_ =	shalt  }
0x45: {  	_ =	shalt  }
0x46: {  	_ =	shalt  }
0x47: {  	_ =	shalt  }
0x48: {  	_ =	shalt  }
0x49: {  	_ =	shalt  }
0x4a: {  	_ =	shalt  }
0x4b: {  	_ =	shalt  }
0x4c: {  	_ =	shalt  }
0x4d: {  	_ =	shalt  }
0x4e: {  	_ =	shalt  }
0x4f: {  	_ =	shalt  }
0x50: {  	_ =	shalt  }
0x51: {  	_ =	shalt  }
0x52: {  	_ =	shalt  }
0x53: {  	_ =	shalt  }
0x54: {  	_ =	shalt  }
0x55: {  	_ =	shalt  }
0x56: {  	_ =	shalt  }
0x57: {  	_ =	shalt  }
0x58: {  	_ =	shalt  }
0x59: {  	_ =	shalt  }
0x5a: {  	_ =	shalt  }
0x5b: {  	_ =	shalt  }
0x5c: {  	_ =	shalt  }
0x5d: {  	_ =	shalt  }
0x5e: {  	_ =	shalt  }
0x5f: {  	_ =	shalt  }
0x60: {  	_ =	shalt  }
0x61: {  	_ =	shalt  }
0x62: {  	_ =	shalt  }
0x63: {  	_ =	shalt  }
0x64: {  	_ =	shalt  }
0x65: {  	_ =	shalt  }
0x66: {  	_ =	shalt  }
0x67: {  	_ =	shalt  }
0x68: {  	_ =	shalt  }
0x69: {  	_ =	shalt  }
0x6a: {  	_ =	shalt  }
0x6b: {  	_ =	shalt  }
0x6c: {  	_ =	shalt  }
0x6d: {  	_ =	shalt  }
0x6e: {  	_ =	shalt  }
0x6f: {  	_ =	shalt  }
0x70: {  	_ =	shalt  }
0x71: {  	_ =	shalt  }
0x72: {  	_ =	shalt  }
0x73: {  	_ =	shalt  }
0x74: {  	_ =	shalt  }
0x75: {  	_ =	shalt  }
0x76: {  	_ =	shalt  }
0x77: {  	_ =	shalt  }
0x78: {  	_ =	shalt  }
0x79: {  	_ =	shalt  }
0x7a: {  	_ =	shalt  }
0x7b: {  	_ =	shalt  }
0x7c: {  	_ =	shalt  }
0x7d: {  	_ =	shalt  }
0x7e: {  	_ =	shalt  }
0x7f: {  	_ =	shalt  }
0x80: {  	_ =	shalt  }
0x81: {  	_ =	shalt  }
0x82: {  	_ =	shalt  }
0x83: {  	_ =	shalt  }
0x84: {  	_ =	shalt  }
0x85: {  	_ =	shalt  }
0x86: {  	_ =	shalt  }
0x87: {  	_ =	shalt  }
.Lfunc_end0:
.L_simem_size_0:
called_computation_lowered:
.L_overlay_start_0:
0x88: {  	s2 =	sld [smem:$0x3FD9]  }
0x89: {  	s3 =	sld [smem:$0x3FFE];
	_ =	sdelay $0x1  }
0x8a: {  	s1 =	srdreg.scid  }
0x8b: {  	s0 =	sand.u32 $0x1, s1  }
0x8c: {  	s14 =	sshll.u32 s0, $0xA;
	s2 =	sadd.s32 s3, s2  }
0x8d: {  	s2 =	sadd.s32 s2, s14  }
0x8e: {  	[smem:$0x3FC5] =	sst s2  }
0x8f: {  	_ = 	snop  }
0x90: {  	s2 =	sld [smem:$0x3FD0];
	_ =	sdelay $0x2  }
0x91: {  	s15 =	simm.s32 $0xA;
	s4 =	simm.s32 $0x10  }
0x92: {  	[smem:s4], [sflag:s15] =	dma.local [hbm:s2], $0x1  }
0x93: {  	_ =	swait.eq [sflag:s15], $0x1  }
0x94: {  	[sflag:s15] =	ssyncset.done $0x0  }
0x95: {  	[sflag:s15] =	ssyncadd.s32 $0xFFFFFFFF  }
0x96: {  	s16 =	sld [smem:$0x11];
	(tm) =	ssettm $0x1  }
0x97: {  	s17 =	sld [smem:$0x3FFB];
	_ =	sdelay $0x3  }
0x98: {  	_ =	strace s17  }
0x99: {  	s3 =	sld [smem:$0x3FFC];
	_ =	sdelay $0x3  }
0x9a: {  	_ =	strace s3  }
0x9b: {  	s3 =	sld [smem:$0x3FFD];
	_ =	sdelay $0x3  }
0x9c: {  	_ =	strace s3  }
0x9d: {  	_ =	strace $0x8FFFFFFF  }
0x9e: {  	s18 =	sld [smem:$0x3FDB];
	_ =	sdelay $0x1  }
0x9f: {  	s19 =	simm.s32 $_scs_section_size  }
0xa0: {  	s5 =	simm.s32 $_size__tile_overlayer_lowered;
	s6 =	simm.s32 $_tile_overlayer_lowered  }
0xa1: {  	s22 =	simm.s32 $0x1BFF;
	s21 =	sshll.u32 s6, $0x1;
	s3 =	sadd.s32 s19, s18  }
0xa2: {  	s7 =	simm.s32 $0x0;
	s20 =	sshll.u32 s5, $0x1;
	s5 =	sadd.s32 s21, s3  }
0xa3: {  	[timem:s7], [sflag:s22] =	dma.local [hbm:s5], s20  }
0xa4: {  	_ =	swait.ge [sflag:s22], s20  }
0xa5: {  	s4 =	ssub.s32 $0x0, s20;
	[sflag:s22] =	ssyncset.done $0x0  }
0xa6: {  	[sflag:s22] =	ssyncadd.s32 s4;
	_ =	sdelay $0x1  }
0xa7: {  	s23 =	simm.s32 $0x1B8B  }
0xa8: {  	_ =	swait.ge [sflag:s23], $0x1  }
0xa9: {  	[sflag:s23] =	ssyncset.done $0x0  }
0xaa: {  	s25 =	simm.s32 $0x1B8E;
	s24 =	sld [smem:$0x3FFE];
	[sflag:s23] =	ssyncadd.s32 $0xFFFFFFFF  }
0xab: {  	s26 =	simm.s32 $execute0_lowered;
	[smem:$0x3FD2] =	sst s25  }
0xac: {  	s5 =	sshll.u32 s26, $0x1;
	_ =	strace $0x80000046;
	[dreg:$0x1] =	wrdreg $0xFFFFFFFF  }
0xad: {  	s28 =	simm.s32 $_size_execute0_lowered;
	s3 =	sadd.s32 s3, s5;
	[dreg:$0x0] =	wrdreg $0x0  }
0xae: {  	s5 =	sshll.u32 s28, $0x1;
	[dreg:$0x2] =	wrdreg s3  }
0xaf: {  	[dreg:$0x3] =	wrdreg s5  }
0xb0: {  	[dreg:$0x4] =	wrdreg $0xC0  }
0xb1: {  	_ =	task [dreg:s7], $0x5FFFF  }
0xb2: {  	[dreg:$0x1] =	wrdreg $0xFFFFFFFF  }
0xb3: {  	[dreg:$0x0] =	wrdreg $0x60  }
0xb4: {  	[dreg:$0x2] =	wrdreg s24  }
0xb5: {  	[dreg:$0x3] =	wrdreg s16  }
0xb6: {  	[dreg:$0x4] =	wrdreg $0x9  }
0xb7: {  	_ =	task.clear_ibuf [dreg:s7], $0x5FFFF;
	_ =	strace $0x90000046  }
0xb8: {  	s29 =	simm.s32 $0x9;
	_ =	strace $0x80000048  }
0xb9: {  	_ =	swait.ge [sflag:s29], $0x1  }
0xba: {  	[sflag:s29] =	ssyncadd.s32 $0xFFFFFFFF  }
0xbb: {  	_ =	strace $0x90000048  }
0xbc: {  	_ =	sfence  }
0xbd: {  	s30 =	sld [smem:$0x0];
	_ =	sdelay $0x2  }
0xbe: {  	s31 =	sshll.u32 s1, $0xD;
	s1 =	sshrl.u32 s1, $0x2  }
0xbf: {  	s3 =	sand.u32 $0x4000, s31;
	s1 =	sadd.s32 s1, s30  }
0xc0: {  	s0 =	sor.u32 s3, s0;
	s1 =	sshll.u32 s1, $0x11  }
0xc1: {  	s0 =	sor.u32 s1, s0  }
0xc2: {  	s0 =	sadd.s32 $0x8F2B, s0  }
0xc3: {  	[sflag:s0] =	ssyncadd.remote.s32 $0x1  }
0xc4: {  	_ =	sfence.sel $0xFFFF  }
0xc5: {  	[dreg:$0x0] =	wrdreg $0xFFFFFFFF;
	(pc) =	sbr.abs _section_cstart, $3  }
0xc6: {  	[dreg:$0x1] =	wrdreg $0xFFFFFFFF  }
0xc7: {  	_ =	task.clear_ibuf [dreg:s7], $0x2FFFF;
	_ =	strace $0x9FFFFFFF  }
0xc8: {  	(tm) =	ssettm $0x7FFFFFFF  }
0xc9: {  	_ =	shalt  }
tec
execute0_lowered:
.L_overlay_start_1:
0x0: {  	(tag) =	ssettag $0x1  }
0x1: {  	s3 =	rddreg [dreg:$0x0]  }
0x2: {  	s1 =	rddreg [dreg:$0x1]  }
0x3: {  	s0 =	rddreg [dreg:$0x2];
	s2 =	simm.s32 $0x0  }
0x4: {  	s4 =	srdreg.scid;
	s9 =	simm.s32 $0x2000;
	s10 =	simm.s32 $0x2400  }
0x5: {  	s11 =	simm.s32 $0x0;
	[smem:$0x7FF] =	sst s2;
	s6 =	sand.u32 $0x1, s4  }
0x6: {  	v0 =	vlaneseq.u32;
	s4 =	sadd.s32 $0xE00, s3;
	s5 =	sadd.s32 $0x40E00, s3;
	s7 =	ssub.s32 $0x2, s6  }
0x7: {  	s3 =	stileid.u32;
	v4 =	vmul.u32 $0xFFFFFFFF, v0;
	_ =	strace $0x80000047;
	s8 =	sshrl.u32 s7, $0x1  }
0x8: {  	v1 =	vor.u32 $0x10, v0;
	s31 =	sshll.u32 s3, $0xB;
	s6 =	sshll.u32 s6, $0xA;
	s7 =	ssub.s32 s7, s8  }
0x9: {  	v2 =	vor.u32 $0x20, v0;
	v3 =	vor.u32 $0x30, v0;
	s6 =	sor.u32 s6, s31;
	v4 =	vadd.s32 $0xF, v4;
	s8 =	simm.s32 $0x1;
	s7 =	smax.u32 s7, $0x1  }
.LBB2_1:
0xa: {  	s12 =	simm.s32 $0x0  }
.LBB2_2:
0xb: {  	s13 =	sshll.u32 s12, $0x7  }
0xc: {  	s13 =	sadd.s32 s6, s13  }
0xd: {  	s14 =	sshll.u32 s13, $0x3  }
0xe: {  	s14 =	sadd.s32 s4, s14  }
0xf: {  	[tilespmem:s2], [sflag:$0x1] =	stream.linear.gather [hbm4b:s14+s2], $0x2000, $0x38;
	[tilespmem:$0x2800] =	vst v63  }
0x10: {  	_ =	swait.ge [sflag:s8], $0x2000  }
0x11: {  	[sflag:s8] =	ssyncset.done $0x0  }
0x12: {  	s14 =	simm.s32 $0x20;
	[sflag:s8] =	ssyncadd.s32 $0xFFFFE000  }
0x13: {  	v5 =	vld [tilespmem:s14+$0x10]  }
0x14: {  	v6 =	vld [tilespmem:s14+$0x0]  }
0x15: {  	v7 =	vld [tilespmem:s14+$0xFFFFFFF0];
	_ =	sdelay $0x1  }
0x16: {  	v8 =	vld [tilespmem:s14+$0xFFFFFFE0]  }
0x17: {  	(xrf1) =	vsort.dscd.msk.f32 $0xffff, v5, v3  }
0x18: {  	(xrf1) =	vsort.dscd.msk.f32 $0xffff, v6, v2  }
0x19: {  	(xrf1) =	vsort.dscd.msk.f32 $0xffff, v7, v1;
	_ =	sdelay $0x1  }
0x1a: {  	(xrf1) =	vsort.dscd.msk.f32 $0xffff, v8, v0;
	_ =	sdelay $0x9  }
0x1b: {  	v5, v6, _ =	vpop (xrf1)  }
0x1c: {  	v5 =	vperm.xlane v5, v4;
	v7, v8, _ =	vpop (xrf1)  }
0x1d: {  	v6 =	vperm.xlane v6, v4;
	v9, v10, _ =	vpop (xrf1)  }
0x1e: {  	v9 =	vperm.xlane v9, v4;
	vm0 =	vge.f32 v7, v5  }
0x1f: {  	v10 =	vperm.xlane v10, v4;
	v5 =	vsel vm0, v7, v5;
	v6 =	vsel vm0, v8, v6;
	v7, v8, _ =	vpop (xrf1)  }
0x20: {  	vm11 =	vge.f32 v7, v9;
	(xrf1) =	vsort.dscd.msk.f32 $0xffff, v5, v6  }
0x21: {  	v5 =	vsel vm11, v7, v9;
	v6 =	vsel vm11, v8, v10  }
0x22: {  	(xrf1) =	vsort.dscd.msk.f32 $0xffff, v5, v6;
	_ =	sdelay $0xb  }
0x23: {  	v5, v6, _ =	vpop (xrf1)  }
0x24: {  	v5 =	vperm.xlane v5, v4  }
0x25: {  	v6 =	vperm.xlane v6, v4;
	v7, v8, _ =	vpop (xrf1)  }
0x26: {  	vm12 =	vge.f32 v7, v5  }
0x27: {  	v5 =	vsel vm12, v7, v5;
	v6 =	vsel vm12, v8, v6  }
0x28: {  	(xrf1) =	vsort.dscd.msk.f32 $0xffff, v5, v6;
	_ =	sdelay $0x8  }
0x29: {  	s15 =	simm.s32 $0x0  }
0x2a: {  	v5 =	vor.u32 s15, v0;
	_ =	sdelay $0x3  }
0x2b: {  	v6, v7, _ =	vpop (xrf1)  }
0x2c: {  	s31 =	simm.s32 $0x40;
	[tilespmem:v5+s9+$0x0] =	vst.idx.msk $0xff, v6  }
0x2d: {  	s16 =	sor.u32 $0x70, s31;
	[tilespmem:v5+s10+$0x0] =	vst.idx.msk $0xff, v7  }
0x2e: {  	s17 =	sor.u32 $0x60, s31;
	v5 =	vld [tilespmem:s16+$0x0]  }
0x2f: {  	s15 =	sor.u32 $0x50, s31;
	v6 =	vld [tilespmem:s17+$0x0]  }
0x30: {  	v7 =	vld [tilespmem:s15+$0x0];
	_ =	sdelay $0x1  }
0x31: {  	v8 =	vld [tilespmem:s14+$0x20]  }
0x32: {  	(xrf1) =	vsort.dscd.msk.f32 $0xffff, v5, v3  }
0x33: {  	(xrf1) =	vsort.dscd.msk.f32 $0xffff, v6, v2  }
0x34: {  	(xrf1) =	vsort.dscd.msk.f32 $0xffff, v7, v1;
	_ =	sdelay $0x1  }
0x35: {  	(xrf1) =	vsort.dscd.msk.f32 $0xffff, v8, v0;
	_ =	sdelay $0x9  }
0x36: {  	v5, v6, _ =	vpop (xrf1)  }
0x37: {  	v5 =	vperm.xlane v5, v4;
	v7, v8, _ =	vpop (xrf1)  }
0x38: {  	v6 =	vperm.xlane v6, v4;
	v62, v63, _ =	vpop (xrf1)  }
0x39: {  	v9 =	vperm.xlane v62, v4;
	vm13 =	vge.f32 v7, v5  }
0x3a: {  	v10 =	vperm.xlane v63, v4;
	v5 =	vsel vm13, v7, v5;
	v6 =	vsel vm13, v8, v6;
	v7, v8, _ =	vpop (xrf1)  }
0x3b: {  	vm14 =	vge.f32 v7, v9;
	(xrf1) =	vsort.dscd.msk.f32 $0xffff, v5, v6  }
0x3c: {  	v5 =	vsel vm14, v7, v9;
	v6 =	vsel vm14, v8, v10  }
0x3d: {  	(xrf1) =	vsort.dscd.msk.f32 $0xffff, v5, v6;
	_ =	sdelay $0xb  }
0x3e: {  	v5, v6, _ =	vpop (xrf1)  }
0x3f: {  	v5 =	vperm.xlane v5, v4  }
0x40: {  	v6 =	vperm.xlane v6, v4;
	v7, v8, _ =	vpop (xrf1)  }
0x41: {  	vm15 =	vge.f32 v7, v5  }
0x42: {  	v5 =	vsel vm15, v7, v5;
	v6 =	vsel vm15, v8, v6  }
0x43: {  	(xrf1) =	vsort.dscd.msk.f32 $0xffff, v5, v6;
	_ =	sdelay $0x8  }
0x44: {  	s15 =	simm.s32 $0x8  }
0x45: {  	v5 =	vadd.s32 s15, v0;
	_ =	sdelay $0x3  }
0x46: {  	v7, v6, _ =	vpop (xrf1)  }
0x47: {  	s16 =	simm.s32 $0xC0;
	[tilespmem:v5+s9+$0x0] =	vst.idx.msk $0xff, v7  }
.LBB2_3:
0x48: {  	p0 =	sne.s32 s16, $0x1FC0;
	[tilespmem:v5+s10+$0x0] =	vst.idx.msk $0xff, v6;
	s15 =	sadd.s32 $0x10, s15;
	s14 =	sadd.s32 $0x80, s14  }
0x49: {  	s17 =	smov.u32 s16;
	s16 =	sadd.s32 $0x80, s16;
	v5 =	vld [tilespmem:s14+$0x10]  }
0x4a: {  	v6 =	vld [tilespmem:s14+$0x0]  }
0x4b: {  	v7 =	vld [tilespmem:s14+$0xFFFFFFF0];
	_ =	sdelay $0x1  }
0x4c: {  	v8 =	vld [tilespmem:s14+$0xFFFFFFE0]  }
0x4d: {  	(xrf1) =	vsort.dscd.msk.f32 $0xffff, v5, v3  }
0x4e: {  	(xrf1) =	vsort.dscd.msk.f32 $0xffff, v6, v2  }
0x4f: {  	(xrf1) =	vsort.dscd.msk.f32 $0xffff, v7, v1;
	_ =	sdelay $0x1  }
0x50: {  	(xrf1) =	vsort.dscd.msk.f32 $0xffff, v8, v0;
	_ =	sdelay $0x9  }
0x51: {  	v5, v6, _ =	vpop (xrf1)  }
0x52: {  	v5 =	vperm.xlane v5, v4;
	v7, v8, _ =	vpop (xrf1)  }
0x53: {  	v6 =	vperm.xlane v6, v4;
	v9, v10, _ =	vpop (xrf1)  }
0x54: {  	v9 =	vperm.xlane v9, v4;
	vm0 =	vge.f32 v7, v5  }
0x55: {  	v10 =	vperm.xlane v10, v4;
	v5 =	vsel vm0, v7, v5;
	v6 =	vsel vm0, v8, v6;
	v7, v8, _ =	vpop (xrf1)  }
0x56: {  	vm0 =	vge.f32 v7, v9;
	(xrf1) =	vsort.dscd.msk.f32 $0xffff, v5, v6  }
0x57: {  	v5 =	vsel vm0, v7, v9;
	v6 =	vsel vm0, v8, v10  }
0x58: {  	(xrf1) =	vsort.dscd.msk.f32 $0xffff, v5, v6;
	_ =	sdelay $0xb  }
0x59: {  	v5, v6, _ =	vpop (xrf1)  }
0x5a: {  	v5 =	vperm.xlane v5, v4  }
0x5b: {  	v6 =	vperm.xlane v6, v4;
	v7, v8, _ =	vpop (xrf1)  }
0x5c: {  	vm0 =	vge.f32 v7, v5  }
0x5d: {  	v5 =	vsel vm0, v7, v5;
	v6 =	vsel vm0, v8, v6  }
0x5e: {  	(xrf1) =	vsort.dscd.msk.f32 $0xffff, v5, v6;
	_ =	sdelay $0x8  }
0x5f: {  	s18 =	sadd.s32 $0xFFFFFFF8, s15  }
0x60: {  	v5 =	vor.u32 s18, v0;
	_ =	sdelay $0x3  }
0x61: {  	v6, v7, _ =	vpop (xrf1)  }
0x62: {  	[tilespmem:v5+s9+$0x0] =	vst.idx.msk $0xff, v6  }
0x63: {  	s18 =	sor.u32 $0x70, s17;
	[tilespmem:v5+s10+$0x0] =	vst.idx.msk $0xff, v7  }
0x64: {  	s19 =	sor.u32 $0x60, s17;
	v5 =	vld [tilespmem:s18+$0x0]  }
0x65: {  	s17 =	sor.u32 $0x50, s17;
	v6 =	vld [tilespmem:s19+$0x0]  }
0x66: {  	v7 =	vld [tilespmem:s17+$0x0];
	_ =	sdelay $0x1  }
0x67: {  	v8 =	vld [tilespmem:s14+$0x20]  }
0x68: {  	(xrf1) =	vsort.dscd.msk.f32 $0xffff, v5, v3  }
0x69: {  	(xrf1) =	vsort.dscd.msk.f32 $0xffff, v6, v2  }
0x6a: {  	(xrf1) =	vsort.dscd.msk.f32 $0xffff, v7, v1;
	_ =	sdelay $0x1  }
0x6b: {  	(xrf1) =	vsort.dscd.msk.f32 $0xffff, v8, v0;
	_ =	sdelay $0x9  }
0x6c: {  	v5, v6, _ =	vpop (xrf1)  }
0x6d: {  	v5 =	vperm.xlane v5, v4;
	v7, v8, _ =	vpop (xrf1)  }
0x6e: {  	v6 =	vperm.xlane v6, v4;
	v9, v10, _ =	vpop (xrf1)  }
0x6f: {  	v9 =	vperm.xlane v9, v4;
	v10 =	vperm.xlane v10, v4;
	vm0 =	vge.f32 v7, v5  }
0x70: {  	v5 =	vsel vm0, v7, v5;
	v6 =	vsel vm0, v8, v6;
	v7, v8, _ =	vpop (xrf1)  }
0x71: {  	vm0 =	vge.f32 v7, v9;
	(xrf1) =	vsort.dscd.msk.f32 $0xffff, v5, v6  }
0x72: {  	v5 =	vsel vm0, v7, v9;
	v6 =	vsel vm0, v8, v10  }
0x73: {  	(xrf1) =	vsort.dscd.msk.f32 $0xffff, v5, v6;
	_ =	sdelay $0xb  }
0x74: {  	v5, v6, _ =	vpop (xrf1)  }
0x75: {  	v5 =	vperm.xlane v5, v4  }
0x76: {  	v6 =	vperm.xlane v6, v4;
	v7, v8, _ =	vpop (xrf1)  }
0x77: {  	vm0 =	vge.f32 v7, v5  }
0x78: {  	v5 =	vsel vm0, v7, v5;
	v6 =	vsel vm0, v8, v6  }
0x79: {  	(xrf1) =	vsort.dscd.msk.f32 $0xffff, v5, v6;
	_ =	sdelay $0x9  }
0x7a: {  	v5 =	vadd.s32 s15, v0  }
.Ltmp0:
0x7b: {  	(pc) =	sbr.rel @p0 .LBB2_3-.Ltmp0, $3  }
0x7c: {  	_ =	sdelay $0x1  }
0x7d: {  	v7, v6, _ =	vpop (xrf1)  }
0x7e: {  	[tilespmem:v5+s9+$0x0] =	vst.idx.msk $0xff, v7  }
0x7f: {  	_ =	sdelay $0x3  }
0x80: {  	[tilespmem:v5+s10+$0x0] =	vst.idx.msk $0xff, v6;
	s14 =	sadd.s32 s5, s13  }
0x81: {  	[hbm4b:s14+s2] =	stream.linear.scatter [tilespmem:s9], [sflag:$0x1], $0x400, $0x38;
	[tilespmem:$0x2800] =	vst v63  }
0x82: {  	s12 =	sadd.s32 $0x1, s12;
	_ =	swait.ge [sflag:s8], $0x400  }
0x83: {  	p0 =	sne.s32 s12, $0x8;
	[sflag:s8] =	ssyncset.done $0x0  }
.Ltmp1:
0x84: {  	s31 =	sadd.s32 s1, s13;
	[sflag:s8] =	ssyncadd.s32 $0xFFFFFC00;
	(pc) =	sbr.rel @p0 .LBB2_2-.Ltmp1, $4  }
0x85: {  	[hbm4b:s31+s2] =	stream.linear.scatter [tilespmem:s10], [sflag:$0x1], $0x400, $0x38;
	[tilespmem:$0x2800] =	vst v63  }
0x86: {  	_ =	swait.ge [sflag:s8], $0x400  }
0x87: {  	[sflag:s8] =	ssyncset.done $0x0  }
0x88: {  	[sflag:s8] =	ssyncadd.s32 $0xFFFFFC00  }
0x89: {  	s11 =	sadd.s32 $0x1, s11  }
0x8a: {  	p0 =	sne.s32 s11, s7  }
.Ltmp2:
0x8b: {  	_ = 	snop;
	(pc) =	sbr.rel @p0 .LBB2_1-.Ltmp2, $1  }
0x8c: {  	_ =	sdelay $0x3  }
0x8d: {  	_ =	sfence.sel $0x180000  }
0x8e: {  	[bflag:$0x0] =	sbarrier.arrive $0xFFFF  }
0x8f: {  	p0 =	sne.s32 s3, $0x0;
	_ =	strace $0x90000047  }
0x90: {  	s0 =	sadd.s32 @!p0 $0x100000, s0;
	[bflag:$0x2] =	sbarrier.arrive $0xFFFF  }
0x91: {  	[sflag:s0] =	ssyncadd.tile.s32 @!p0 $0x1;
	_ =	shalt  }
.Lfunc_end2:
_tile_overlayer_lowered:
.L_overlay_start_2:
0x92: {  	(tag) =	ssettag $0x2  }
0x93: {  	s0 =	rddreg [dreg:$0x0];
	s2 =	stileid.u32  }
0x94: {  	s1 =	rddreg [dreg:$0x1];
	p0 =	sne.s32 s2, $0x0  }
0x95: {  	s3 =	rddreg [dreg:$0x2];
	[bflag:$0x3] =	sbarrier.arrive $0xFFFF;
	s2 =	simm.s32 @!p0 $0x1C01  }
0x96: {  	[timem:s3], [sflag:s2] =	dma.local @!p0 [hbm:s0], s1  }
0x97: {  	s0 =	simm.s32 @!p0 $0x1  }
0x98: {  	_ =	swait.ge @!p0 [sflag:s0], s1  }
0x99: {  	s1 =	ssub.s32 @!p0 $0x0, s1;
	[sflag:s0] =	ssyncset.done @!p0 $0x0  }
0x9a: {  	[sflag:s0] =	ssyncadd.s32 @!p0 s1  }
0x9b: {  	[bflag:$0x3] =	sbarrier.arrive $0xFFFF  }
0x9c: {  	_ =	shalt  }

</sc_bundles>
